<compile_context>
chip_gen: v7x
topology: tpu7x:2x2x1
jax: 0.10.2.dev20260603
libtpu: 0.0.44.dev20260713+nightly
codegen_flags: <defaults>
</compile_context>

<pallas_src>
import functools

import jax
import jax.numpy as jnp
from jax import lax
from jax.experimental import pallas as pl
from jax.experimental.pallas import tpu as pltpu
from jax.experimental.pallas import tpu_sc as plsc

_L = 16


@functools.cache
def _build(B, D, R, NBUF):
    info = plsc.get_sparse_core_info()
    NC, NS = info.num_cores, info.num_subcores
    NW = NC * NS
    assert B % (NW * R) == 0 and D % _L == 0
    RW = B // NW
    NCHUNK = RW // R
    assert NCHUNK % NBUF == 0

    mesh = plsc.VectorSubcoreMesh(core_axis_name="c", subcore_axis_name="s")

    @functools.partial(
        pl.kernel,
        out_type=jax.ShapeDtypeStruct((B, D), jnp.float32),
        mesh=mesh,
        compiler_params=pltpu.CompilerParams(needs_layout_passes=False,
                                             disable_bounds_checks=True),
        scratch_types=[
            pltpu.VMEM((D,), jnp.int32),
            [pltpu.VMEM((R, D), jnp.float32)] * NBUF,
            [pltpu.VMEM((R, D), jnp.float32)] * NBUF,
            [pltpu.SemaphoreType.DMA] * NBUF,
            [pltpu.SemaphoreType.DMA] * NBUF,
        ],
    )
    def permute_kernel(x_hbm, iperm_hbm, out_hbm, iperm_v,
                       in_v, out_v, in_sems, out_sems):
        wid = lax.axis_index("s") * NC + lax.axis_index("c")
        base = wid * RW
        pltpu.sync_copy(iperm_hbm, iperm_v)

        def start_in(b, c):
            pltpu.async_copy(x_hbm.at[pl.ds(base + c * R, R)], in_v[b],
                             in_sems[b])

        def start_out(b, c):
            pltpu.async_copy(out_v[b], out_hbm.at[pl.ds(base + c * R, R)],
                             out_sems[b])

        def wait_in(b):
            pltpu.make_async_copy(x_hbm.at[pl.ds(base, R)], in_v[b],
                                  in_sems[b]).wait()

        def wait_out(b):
            pltpu.make_async_copy(out_v[b], out_hbm.at[pl.ds(base, R)],
                                  out_sems[b]).wait()

        for b in range(NBUF):
            start_in(b, b)

        def outer(c2, carry):
            for b in range(NBUF):
                c = NBUF * c2 + b
                wait_in(b)

                @pl.when(c2 >= 1)
                def _():
                    wait_out(b)

                def col_body(k, carry2):
                    sv = iperm_v[pl.ds(k * _L, _L)]
                    for r in range(R):
                        rvec = jnp.full((_L,), r, jnp.int32)
                        v = in_v[b][r, pl.ds(k * _L, _L)]
                        plsc.store_scatter(out_v[b], [rvec, sv], v)
                    return carry2

                lax.fori_loop(0, D // _L, col_body, 0)
                start_out(b, c)

                @pl.when(c2 < NCHUNK // NBUF - 1)
                def _():
                    start_in(b, c + NBUF)
            return carry

        lax.fori_loop(0, NCHUNK // NBUF, outer, 0)
        for b in range(NBUF):
            wait_out(b)

    return permute_kernel


def kernel(x, perm):
    B, D = x.shape
    iperm = jnp.argsort(perm).astype(jnp.int32)
    z = _build(B, D, 8, 2)(x, iperm)
    return (z, 0)

# --- scband reference (transcript-rebuilt; emitter-appended) ---
"""Pipeline reference for scband-invertible-permutation-7430293422628 (READ-ONLY COPY).

The authoritative reference and input builder live on the scoring server;
editing this copy changes nothing except your own understanding.
"""

import jax, jax.numpy as jnp
import numpy as np

DIM = 2048
BATCH = 16384

def setup_inputs(seed: int = 0) -> dict:
    key = jax.random.key(seed)
    k1, k2 = jax.random.split(key)
    x = jax.random.normal(k1, (BATCH, DIM), dtype=jnp.float32)
    # the module builds np.random.permutation(dim) at __init__ time; materialize it here
    perm = jax.random.permutation(k2, DIM).astype(jnp.int64)
    return {"x": x, "perm": perm}

def reference(x, perm):
    # InvertiblePermutation.forward: x[:, self.perm], logdet = 0
    z = jnp.take(x, perm, axis=1)
    return (z, 0)

if __name__ == "__main__":
    import jax
    _d = setup_inputs()
    print(jax.jit(kernel)(*tuple(_d.values())))

</pallas_src>

<mosaic_0001>
#map = affine_map<(d0, d1) -> (0, 0)>
#map1 = affine_map<(d0, d1) -> (0)>
module attributes {stable_mosaic.version = 14 : i64} {
  func.func @permute_kernel(%arg0: i32, %arg1: i32, %arg2: memref<16384x2048xf32, #tpu.memory_space<hbm>>, %arg3: memref<2048xi32, #tpu.memory_space<hbm>>, %arg4: memref<16384x2048xf32, #tpu.memory_space<hbm>>, %arg5: memref<2048xi32, #tpu.memory_space<vmem>>, %arg6: memref<8x2048xf32, #tpu.memory_space<vmem>>, %arg7: memref<8x2048xf32, #tpu.memory_space<vmem>>, %arg8: memref<8x2048xf32, #tpu.memory_space<vmem>>, %arg9: memref<8x2048xf32, #tpu.memory_space<vmem>>, %arg10: memref<!tpu.dma_semaphore, #tpu.memory_space<semaphore_mem>>, %arg11: memref<!tpu.dma_semaphore, #tpu.memory_space<semaphore_mem>>, %arg12: memref<!tpu.dma_semaphore, #tpu.memory_space<semaphore_mem>>, %arg13: memref<!tpu.dma_semaphore, #tpu.memory_space<semaphore_mem>>) attributes {dimension_semantics = [#tpu.dimension_semantics<core_parallel>, #tpu.dimension_semantics<subcore_parallel>], iteration_bounds = array<i64: 2, 16>, scalar_prefetch = 0 : i64, scratch_operands = 9 : i64, tpu.core_type = #tpu.core_type<sc_vector_subcore>, window_params = [{transform_indices = #map}, {transform_indices = #map1}, {transform_indices = #map}]} {
    %mul3A = arith.constant 2 : i32
    %mul3A_0 = arith.muli %arg1, %mul3A : i32
    %add3A = arith.addi %mul3A_0, %arg0 : i32
    %mul3A_1 = arith.constant 512 : i32
    %mul3A_2 = arith.muli %add3A, %mul3A_1 : i32
    "tpu.region"() ({
      %run_scoped3A = tpu.sem_alloc : memref<!tpu.dma_semaphore, #tpu.memory_space<semaphore_mem>>
      tpu.enqueue_dma source(%arg3 : memref<2048xi32, #tpu.memory_space<hbm>>) target(%arg5 : memref<2048xi32, #tpu.memory_space<vmem>>) target_semaphore(%run_scoped3A : memref<!tpu.dma_semaphore, #tpu.memory_space<semaphore_mem>>)
      tpu.wait_dma2 semaphore(%run_scoped3A : memref<!tpu.dma_semaphore, #tpu.memory_space<semaphore_mem>>) src(%arg3 : memref<2048xi32, #tpu.memory_space<hbm>>) dst(%arg5 : memref<2048xi32, #tpu.memory_space<vmem>>)
      tpu.yield
    }) : () -> ()
    %add3A_3 = arith.constant 0 : i32
    %add3A_4 = arith.addi %mul3A_2, %add3A_3 : i32
    %dma_start3A = arith.constant 0 : i32
    %dma_start3A_5 = tpu.memref_slice %arg2[%add3A_4, %dma_start3A] : memref<16384x2048xf32, #tpu.memory_space<hbm>> -> memref<8x2048xf32, #tpu.memory_space<hbm>>
    %dma_start3A_6 = arith.constant 0 : i32
    %dma_start3A_7 = tpu.memref_slice %arg2[%add3A_4, %dma_start3A_6] : memref<16384x2048xf32, #tpu.memory_space<hbm>> -> memref<8x2048xf32, #tpu.memory_space<hbm>>
    tpu.enqueue_dma source(%dma_start3A_7 : memref<8x2048xf32, #tpu.memory_space<hbm>>) target(%arg6 : memref<8x2048xf32, #tpu.memory_space<vmem>>) target_semaphore(%arg10 : memref<!tpu.dma_semaphore, #tpu.memory_space<semaphore_mem>>)
    %add3A_8 = arith.constant 8 : i32
    %add3A_9 = arith.addi %mul3A_2, %add3A_8 : i32
    %dma_start3A_10 = arith.constant 0 : i32
    %dma_start3A_11 = tpu.memref_slice %arg2[%add3A_9, %dma_start3A_10] : memref<16384x2048xf32, #tpu.memory_space<hbm>> -> memref<8x2048xf32, #tpu.memory_space<hbm>>
    %dma_start3A_12 = arith.constant 0 : i32
    %dma_start3A_13 = tpu.memref_slice %arg2[%add3A_9, %dma_start3A_12] : memref<16384x2048xf32, #tpu.memory_space<hbm>> -> memref<8x2048xf32, #tpu.memory_space<hbm>>
    tpu.enqueue_dma source(%dma_start3A_13 : memref<8x2048xf32, #tpu.memory_space<hbm>>) target(%arg7 : memref<8x2048xf32, #tpu.memory_space<vmem>>) target_semaphore(%arg11 : memref<!tpu.dma_semaphore, #tpu.memory_space<semaphore_mem>>)
    %scan3A = arith.constant 0 : i32
    %scan3A_14 = arith.constant 0 : i32
    %scan3A_15 = arith.constant 32 : i32
    %scan3A_16 = arith.addi %scan3A_14, %scan3A_15 : i32
    %scan3A_17 = arith.constant 1 : i32
    scf.for %scan3A_26 = %scan3A_14 to %scan3A_16 step %scan3A_17  : i32 {
      %mul3A_27 = arith.constant 2 : i32
      %mul3A_28 = arith.muli %mul3A_27, %scan3A_26 : i32
      %add3A_29 = arith.constant 0 : i32
      %add3A_30 = arith.addi %mul3A_28, %add3A_29 : i32
      %dma_wait3A_31 = arith.constant 0 : i32
      %dma_wait3A_32 = tpu.memref_slice %arg2[%mul3A_2, %dma_wait3A_31] : memref<16384x2048xf32, #tpu.memory_space<hbm>> -> memref<8x2048xf32, #tpu.memory_space<hbm>>
      %dma_wait3A_33 = arith.constant 0 : i32
      %dma_wait3A_34 = tpu.memref_slice %arg2[%mul3A_2, %dma_wait3A_33] : memref<16384x2048xf32, #tpu.memory_space<hbm>> -> memref<8x2048xf32, #tpu.memory_space<hbm>>
      tpu.wait_dma2 semaphore(%arg10 : memref<!tpu.dma_semaphore, #tpu.memory_space<semaphore_mem>>) src(%dma_wait3A_34 : memref<8x2048xf32, #tpu.memory_space<hbm>>) dst(%arg6 : memref<8x2048xf32, #tpu.memory_space<vmem>>)
      %ge3A = arith.constant 1 : i32
      %ge3A_35 = arith.cmpi sge, %scan3A_26, %ge3A : i32
      %convert_element_type3A = arith.extui %ge3A_35 : i1 to i32
      %cond3A = arith.constant 0 : i32
      %cond3A_36 = arith.cmpi ne, %convert_element_type3A, %cond3A : i32
      scf.if %cond3A_36 {
        %dma_wait3A_85 = arith.constant 0 : i32
        %dma_wait3A_86 = tpu.memref_slice %arg4[%mul3A_2, %dma_wait3A_85] : memref<16384x2048xf32, #tpu.memory_space<hbm>> -> memref<8x2048xf32, #tpu.memory_space<hbm>>
        %dma_wait3A_87 = arith.constant 0 : i32
        %dma_wait3A_88 = tpu.memref_slice %arg4[%mul3A_2, %dma_wait3A_87] : memref<16384x2048xf32, #tpu.memory_space<hbm>> -> memref<8x2048xf32, #tpu.memory_space<hbm>>
        tpu.wait_dma2 semaphore(%arg12 : memref<!tpu.dma_semaphore, #tpu.memory_space<semaphore_mem>>) src(%arg8 : memref<8x2048xf32, #tpu.memory_space<vmem>>) dst(%dma_wait3A_88 : memref<8x2048xf32, #tpu.memory_space<hbm>>)
      } else {
      }
      %scan3A_37 = arith.constant 0 : i32
      %scan3A_38 = arith.constant 0 : i32
      %scan3A_39 = arith.constant 128 : i32
      %scan3A_40 = arith.addi %scan3A_38, %scan3A_39 : i32
      %scan3A_41 = arith.constant 1 : i32
      scf.for %scan3A_85 = %scan3A_38 to %scan3A_40 step %scan3A_41  : i32 {
        %mul3A_86 = arith.constant 16 : i32
        %mul3A_87 = arith.muli %scan3A_85, %mul3A_86 : i32
        %get3A = arith.index_cast %mul3A_87 : i32 to index
        %get3A_88 = tpu.vector_load %arg5[%get3A] {strides = array<i32>} : memref<2048xi32, #tpu.memory_space<vmem>>, vector<16xi32>,
        %broadcast_in_dim3A = arith.constant 0 : i32
        %broadcast_in_dim3A_89 = vector.broadcast %broadcast_in_dim3A : i32 to vector<16xi32>
        %mul3A_90 = arith.constant 16 : i32
        %mul3A_91 = arith.muli %scan3A_85, %mul3A_90 : i32
        %get3A_92 = arith.constant 0 : i32
        %get3A_93 = arith.index_cast %get3A_92 : i32 to index
        %get3A_94 = arith.index_cast %mul3A_91 : i32 to index
        %get3A_95 = tpu.vector_load %arg6[%get3A_93, %get3A_94] {strides = array<i32>} : memref<8x2048xf32, #tpu.memory_space<vmem>>, vector<16xf32>,
        tpu.vector_store_idx %arg8[%broadcast_in_dim3A_89, %get3A_88], %get3A_95 : memref<8x2048xf32, #tpu.memory_space<vmem>>[vector<16xi32>, vector<16xi32>], vector<16xf32>,
        %broadcast_in_dim3A_96 = arith.constant 1 : i32
        %broadcast_in_dim3A_97 = vector.broadcast %broadcast_in_dim3A_96 : i32 to vector<16xi32>
        %mul3A_98 = arith.constant 16 : i32
        %mul3A_99 = arith.muli %scan3A_85, %mul3A_98 : i32
        %get3A_100 = arith.constant 1 : i32
        %get3A_101 = arith.index_cast %get3A_100 : i32 to index
        %get3A_102 = arith.index_cast %mul3A_99 : i32 to index
        %get3A_103 = tpu.vector_load %arg6[%get3A_101, %get3A_102] {strides = array<i32>} : memref<8x2048xf32, #tpu.memory_space<vmem>>, vector<16xf32>,
        tpu.vector_store_idx %arg8[%broadcast_in_dim3A_97, %get3A_88], %get3A_103 : memref<8x2048xf32, #tpu.memory_space<vmem>>[vector<16xi32>, vector<16xi32>], vector<16xf32>,
        %broadcast_in_dim3A_104 = arith.constant 2 : i32
        %broadcast_in_dim3A_105 = vector.broadcast %broadcast_in_dim3A_104 : i32 to vector<16xi32>
        %mul3A_106 = arith.constant 16 : i32
        %mul3A_107 = arith.muli %scan3A_85, %mul3A_106 : i32
        %get3A_108 = arith.constant 2 : i32
        %get3A_109 = arith.index_cast %get3A_108 : i32 to index
        %get3A_110 = arith.index_cast %mul3A_107 : i32 to index
        %get3A_111 = tpu.vector_load %arg6[%get3A_109, %get3A_110] {strides = array<i32>} : memref<8x2048xf32, #tpu.memory_space<vmem>>, vector<16xf32>,
        tpu.vector_store_idx %arg8[%broadcast_in_dim3A_105, %get3A_88], %get3A_111 : memref<8x2048xf32, #tpu.memory_space<vmem>>[vector<16xi32>, vector<16xi32>], vector<16xf32>,
        %broadcast_in_dim3A_112 = arith.constant 3 : i32
        %broadcast_in_dim3A_113 = vector.broadcast %broadcast_in_dim3A_112 : i32 to vector<16xi32>
        %mul3A_114 = arith.constant 16 : i32
        %mul3A_115 = arith.muli %scan3A_85, %mul3A_114 : i32
        %get3A_116 = arith.constant 3 : i32
        %get3A_117 = arith.index_cast %get3A_116 : i32 to index
        %get3A_118 = arith.index_cast %mul3A_115 : i32 to index
        %get3A_119 = tpu.vector_load %arg6[%get3A_117, %get3A_118] {strides = array<i32>} : memref<8x2048xf32, #tpu.memory_space<vmem>>, vector<16xf32>,
        tpu.vector_store_idx %arg8[%broadcast_in_dim3A_113, %get3A_88], %get3A_119 : memref<8x2048xf32, #tpu.memory_space<vmem>>[vector<16xi32>, vector<16xi32>], vector<16xf32>,
        %broadcast_in_dim3A_120 = arith.constant 4 : i32
        %broadcast_in_dim3A_121 = vector.broadcast %broadcast_in_dim3A_120 : i32 to vector<16xi32>
        %mul3A_122 = arith.constant 16 : i32
        %mul3A_123 = arith.muli %scan3A_85, %mul3A_122 : i32
        %get3A_124 = arith.constant 4 : i32
        %get3A_125 = arith.index_cast %get3A_124 : i32 to index
        %get3A_126 = arith.index_cast %mul3A_123 : i32 to index
        %get3A_127 = tpu.vector_load %arg6[%get3A_125, %get3A_126] {strides = array<i32>} : memref<8x2048xf32, #tpu.memory_space<vmem>>, vector<16xf32>,
        tpu.vector_store_idx %arg8[%broadcast_in_dim3A_121, %get3A_88], %get3A_127 : memref<8x2048xf32, #tpu.memory_space<vmem>>[vector<16xi32>, vector<16xi32>], vector<16xf32>,
        %broadcast_in_dim3A_128 = arith.constant 5 : i32
        %broadcast_in_dim3A_129 = vector.broadcast %broadcast_in_dim3A_128 : i32 to vector<16xi32>
        %mul3A_130 = arith.constant 16 : i32
        %mul3A_131 = arith.muli %scan3A_85, %mul3A_130 : i32
        %get3A_132 = arith.constant 5 : i32
        %get3A_133 = arith.index_cast %get3A_132 : i32 to index
        %get3A_134 = arith.index_cast %mul3A_131 : i32 to index
        %get3A_135 = tpu.vector_load %arg6[%get3A_133, %get3A_134] {strides = array<i32>} : memref<8x2048xf32, #tpu.memory_space<vmem>>, vector<16xf32>,
        tpu.vector_store_idx %arg8[%broadcast_in_dim3A_129, %get3A_88], %get3A_135 : memref<8x2048xf32, #tpu.memory_space<vmem>>[vector<16xi32>, vector<16xi32>], vector<16xf32>,
        %broadcast_in_dim3A_136 = arith.constant 6 : i32
        %broadcast_in_dim3A_137 = vector.broadcast %broadcast_in_dim3A_136 : i32 to vector<16xi32>
        %mul3A_138 = arith.constant 16 : i32
        %mul3A_139 = arith.muli %scan3A_85, %mul3A_138 : i32
        %get3A_140 = arith.constant 6 : i32
        %get3A_141 = arith.index_cast %get3A_140 : i32 to index
        %get3A_142 = arith.index_cast %mul3A_139 : i32 to index
        %get3A_143 = tpu.vector_load %arg6[%get3A_141, %get3A_142] {strides = array<i32>} : memref<8x2048xf32, #tpu.memory_space<vmem>>, vector<16xf32>,
        tpu.vector_store_idx %arg8[%broadcast_in_dim3A_137, %get3A_88], %get3A_143 : memref<8x2048xf32, #tpu.memory_space<vmem>>[vector<16xi32>, vector<16xi32>], vector<16xf32>,
        %broadcast_in_dim3A_144 = arith.constant 7 : i32
        %broadcast_in_dim3A_145 = vector.broadcast %broadcast_in_dim3A_144 : i32 to vector<16xi32>
        %mul3A_146 = arith.constant 16 : i32
        %mul3A_147 = arith.muli %scan3A_85, %mul3A_146 : i32
        %get3A_148 = arith.constant 7 : i32
        %get3A_149 = arith.index_cast %get3A_148 : i32 to index
        %get3A_150 = arith.index_cast %mul3A_147 : i32 to index
        %get3A_151 = tpu.vector_load %arg6[%get3A_149, %get3A_150] {strides = array<i32>} : memref<8x2048xf32, #tpu.memory_space<vmem>>, vector<16xf32>,
        tpu.vector_store_idx %arg8[%broadcast_in_dim3A_145, %get3A_88], %get3A_151 : memref<8x2048xf32, #tpu.memory_space<vmem>>[vector<16xi32>, vector<16xi32>], vector<16xf32>,
      }
      %scan3A_42 = arith.constant 128 : i32
      %mul3A_43 = arith.constant 8 : i32
      %mul3A_44 = arith.muli %add3A_30, %mul3A_43 : i32
      %add3A_45 = arith.addi %mul3A_2, %mul3A_44 : i32
      %dma_start3A_46 = arith.constant 0 : i32
      %dma_start3A_47 = tpu.memref_slice %arg4[%add3A_45, %dma_start3A_46] : memref<16384x2048xf32, #tpu.memory_space<hbm>> -> memref<8x2048xf32, #tpu.memory_space<hbm>>
      %dma_start3A_48 = arith.constant 0 : i32
      %dma_start3A_49 = tpu.memref_slice %arg4[%add3A_45, %dma_start3A_48] : memref<16384x2048xf32, #tpu.memory_space<hbm>> -> memref<8x2048xf32, #tpu.memory_space<hbm>>
      tpu.enqueue_dma source(%arg8 : memref<8x2048xf32, #tpu.memory_space<vmem>>) target(%dma_start3A_49 : memref<8x2048xf32, #tpu.memory_space<hbm>>) target_semaphore(%arg12 : memref<!tpu.dma_semaphore, #tpu.memory_space<semaphore_mem>>)
      %lt3A = arith.constant 31 : i32
      %lt3A_50 = arith.cmpi slt, %scan3A_26, %lt3A : i32
      %convert_element_type3A_51 = arith.extui %lt3A_50 : i1 to i32
      %cond3A_52 = arith.constant 0 : i32
      %cond3A_53 = arith.cmpi ne, %convert_element_type3A_51, %cond3A_52 : i32
      scf.if %cond3A_53 {
        %add3A_85 = arith.constant 2 : i32
        %add3A_86 = arith.addi %add3A_30, %add3A_85 : i32
        %mul3A_87 = arith.constant 8 : i32
        %mul3A_88 = arith.muli %add3A_86, %mul3A_87 : i32
        %add3A_89 = arith.addi %mul3A_2, %mul3A_88 : i32
        %dma_start3A_90 = arith.constant 0 : i32
        %dma_start3A_91 = tpu.memref_slice %arg2[%add3A_89, %dma_start3A_90] : memref<16384x2048xf32, #tpu.memory_space<hbm>> -> memref<8x2048xf32, #tpu.memory_space<hbm>>
        %dma_start3A_92 = arith.constant 0 : i32
        %dma_start3A_93 = tpu.memref_slice %arg2[%add3A_89, %dma_start3A_92] : memref<16384x2048xf32, #tpu.memory_space<hbm>> -> memref<8x2048xf32, #tpu.memory_space<hbm>>
        tpu.enqueue_dma source(%dma_start3A_93 : memref<8x2048xf32, #tpu.memory_space<hbm>>) target(%arg6 : memref<8x2048xf32, #tpu.memory_space<vmem>>) target_semaphore(%arg10 : memref<!tpu.dma_semaphore, #tpu.memory_space<semaphore_mem>>)
      } else {
      }
      %mul3A_54 = arith.constant 2 : i32
      %mul3A_55 = arith.muli %mul3A_54, %scan3A_26 : i32
      %add3A_56 = arith.constant 1 : i32
      %add3A_57 = arith.addi %mul3A_55, %add3A_56 : i32
      %dma_wait3A_58 = arith.constant 0 : i32
      %dma_wait3A_59 = tpu.memref_slice %arg2[%mul3A_2, %dma_wait3A_58] : memref<16384x2048xf32, #tpu.memory_space<hbm>> -> memref<8x2048xf32, #tpu.memory_space<hbm>>
      %dma_wait3A_60 = arith.constant 0 : i32
      %dma_wait3A_61 = tpu.memref_slice %arg2[%mul3A_2, %dma_wait3A_60] : memref<16384x2048xf32, #tpu.memory_space<hbm>> -> memref<8x2048xf32, #tpu.memory_space<hbm>>
      tpu.wait_dma2 semaphore(%arg11 : memref<!tpu.dma_semaphore, #tpu.memory_space<semaphore_mem>>) src(%dma_wait3A_61 : memref<8x2048xf32, #tpu.memory_space<hbm>>) dst(%arg7 : memref<8x2048xf32, #tpu.memory_space<vmem>>)
      %ge3A_62 = arith.constant 1 : i32
      %ge3A_63 = arith.cmpi sge, %scan3A_26, %ge3A_62 : i32
      %convert_element_type3A_64 = arith.extui %ge3A_63 : i1 to i32
      %cond3A_65 = arith.constant 0 : i32
      %cond3A_66 = arith.cmpi ne, %convert_element_type3A_64, %cond3A_65 : i32
      scf.if %cond3A_66 {
        %dma_wait3A_85 = arith.constant 0 : i32
        %dma_wait3A_86 = tpu.memref_slice %arg4[%mul3A_2, %dma_wait3A_85] : memref<16384x2048xf32, #tpu.memory_space<hbm>> -> memref<8x2048xf32, #tpu.memory_space<hbm>>
        %dma_wait3A_87 = arith.constant 0 : i32
        %dma_wait3A_88 = tpu.memref_slice %arg4[%mul3A_2, %dma_wait3A_87] : memref<16384x2048xf32, #tpu.memory_space<hbm>> -> memref<8x2048xf32, #tpu.memory_space<hbm>>
        tpu.wait_dma2 semaphore(%arg13 : memref<!tpu.dma_semaphore, #tpu.memory_space<semaphore_mem>>) src(%arg9 : memref<8x2048xf32, #tpu.memory_space<vmem>>) dst(%dma_wait3A_88 : memref<8x2048xf32, #tpu.memory_space<hbm>>)
      } else {
      }
      %scan3A_67 = arith.constant 0 : i32
      %scan3A_68 = arith.constant 0 : i32
      %scan3A_69 = arith.constant 128 : i32
      %scan3A_70 = arith.addi %scan3A_68, %scan3A_69 : i32
      %scan3A_71 = arith.constant 1 : i32
      scf.for %scan3A_85 = %scan3A_68 to %scan3A_70 step %scan3A_71  : i32 {
        %mul3A_86 = arith.constant 16 : i32
        %mul3A_87 = arith.muli %scan3A_85, %mul3A_86 : i32
        %get3A = arith.index_cast %mul3A_87 : i32 to index
        %get3A_88 = tpu.vector_load %arg5[%get3A] {strides = array<i32>} : memref<2048xi32, #tpu.memory_space<vmem>>, vector<16xi32>,
        %broadcast_in_dim3A = arith.constant 0 : i32
        %broadcast_in_dim3A_89 = vector.broadcast %broadcast_in_dim3A : i32 to vector<16xi32>
        %mul3A_90 = arith.constant 16 : i32
        %mul3A_91 = arith.muli %scan3A_85, %mul3A_90 : i32
        %get3A_92 = arith.constant 0 : i32
        %get3A_93 = arith.index_cast %get3A_92 : i32 to index
        %get3A_94 = arith.index_cast %mul3A_91 : i32 to index
        %get3A_95 = tpu.vector_load %arg7[%get3A_93, %get3A_94] {strides = array<i32>} : memref<8x2048xf32, #tpu.memory_space<vmem>>, vector<16xf32>,
        tpu.vector_store_idx %arg9[%broadcast_in_dim3A_89, %get3A_88], %get3A_95 : memref<8x2048xf32, #tpu.memory_space<vmem>>[vector<16xi32>, vector<16xi32>], vector<16xf32>,
        %broadcast_in_dim3A_96 = arith.constant 1 : i32
        %broadcast_in_dim3A_97 = vector.broadcast %broadcast_in_dim3A_96 : i32 to vector<16xi32>
        %mul3A_98 = arith.constant 16 : i32
        %mul3A_99 = arith.muli %scan3A_85, %mul3A_98 : i32
        %get3A_100 = arith.constant 1 : i32
        %get3A_101 = arith.index_cast %get3A_100 : i32 to index
        %get3A_102 = arith.index_cast %mul3A_99 : i32 to index
        %get3A_103 = tpu.vector_load %arg7[%get3A_101, %get3A_102] {strides = array<i32>} : memref<8x2048xf32, #tpu.memory_space<vmem>>, vector<16xf32>,
        tpu.vector_store_idx %arg9[%broadcast_in_dim3A_97, %get3A_88], %get3A_103 : memref<8x2048xf32, #tpu.memory_space<vmem>>[vector<16xi32>, vector<16xi32>], vector<16xf32>,
        %broadcast_in_dim3A_104 = arith.constant 2 : i32
        %broadcast_in_dim3A_105 = vector.broadcast %broadcast_in_dim3A_104 : i32 to vector<16xi32>
        %mul3A_106 = arith.constant 16 : i32
        %mul3A_107 = arith.muli %scan3A_85, %mul3A_106 : i32
        %get3A_108 = arith.constant 2 : i32
        %get3A_109 = arith.index_cast %get3A_108 : i32 to index
        %get3A_110 = arith.index_cast %mul3A_107 : i32 to index
        %get3A_111 = tpu.vector_load %arg7[%get3A_109, %get3A_110] {strides = array<i32>} : memref<8x2048xf32, #tpu.memory_space<vmem>>, vector<16xf32>,
        tpu.vector_store_idx %arg9[%broadcast_in_dim3A_105, %get3A_88], %get3A_111 : memref<8x2048xf32, #tpu.memory_space<vmem>>[vector<16xi32>, vector<16xi32>], vector<16xf32>,
        %broadcast_in_dim3A_112 = arith.constant 3 : i32
        %broadcast_in_dim3A_113 = vector.broadcast %broadcast_in_dim3A_112 : i32 to vector<16xi32>
        %mul3A_114 = arith.constant 16 : i32
        %mul3A_115 = arith.muli %scan3A_85, %mul3A_114 : i32
        %get3A_116 = arith.constant 3 : i32
        %get3A_117 = arith.index_cast %get3A_116 : i32 to index
        %get3A_118 = arith.index_cast %mul3A_115 : i32 to index
        %get3A_119 = tpu.vector_load %arg7[%get3A_117, %get3A_118] {strides = array<i32>} : memref<8x2048xf32, #tpu.memory_space<vmem>>, vector<16xf32>,
        tpu.vector_store_idx %arg9[%broadcast_in_dim3A_113, %get3A_88], %get3A_119 : memref<8x2048xf32, #tpu.memory_space<vmem>>[vector<16xi32>, vector<16xi32>], vector<16xf32>,
        %broadcast_in_dim3A_120 = arith.constant 4 : i32
        %broadcast_in_dim3A_121 = vector.broadcast %broadcast_in_dim3A_120 : i32 to vector<16xi32>
        %mul3A_122 = arith.constant 16 : i32
        %mul3A_123 = arith.muli %scan3A_85, %mul3A_122 : i32
        %get3A_124 = arith.constant 4 : i32
        %get3A_125 = arith.index_cast %get3A_124 : i32 to index
        %get3A_126 = arith.index_cast %mul3A_123 : i32 to index
        %get3A_127 = tpu.vector_load %arg7[%get3A_125, %get3A_126] {strides = array<i32>} : memref<8x2048xf32, #tpu.memory_space<vmem>>, vector<16xf32>,
        tpu.vector_store_idx %arg9[%broadcast_in_dim3A_121, %get3A_88], %get3A_127 : memref<8x2048xf32, #tpu.memory_space<vmem>>[vector<16xi32>, vector<16xi32>], vector<16xf32>,
        %broadcast_in_dim3A_128 = arith.constant 5 : i32
        %broadcast_in_dim3A_129 = vector.broadcast %broadcast_in_dim3A_128 : i32 to vector<16xi32>
        %mul3A_130 = arith.constant 16 : i32
        %mul3A_131 = arith.muli %scan3A_85, %mul3A_130 : i32
        %get3A_132 = arith.constant 5 : i32
        %get3A_133 = arith.index_cast %get3A_132 : i32 to index
        %get3A_134 = arith.index_cast %mul3A_131 : i32 to index
        %get3A_135 = tpu.vector_load %arg7[%get3A_133, %get3A_134] {strides = array<i32>} : memref<8x2048xf32, #tpu.memory_space<vmem>>, vector<16xf32>,
        tpu.vector_store_idx %arg9[%broadcast_in_dim3A_129, %get3A_88], %get3A_135 : memref<8x2048xf32, #tpu.memory_space<vmem>>[vector<16xi32>, vector<16xi32>], vector<16xf32>,
        %broadcast_in_dim3A_136 = arith.constant 6 : i32
        %broadcast_in_dim3A_137 = vector.broadcast %broadcast_in_dim3A_136 : i32 to vector<16xi32>
        %mul3A_138 = arith.constant 16 : i32
        %mul3A_139 = arith.muli %scan3A_85, %mul3A_138 : i32
        %get3A_140 = arith.constant 6 : i32
        %get3A_141 = arith.index_cast %get3A_140 : i32 to index
        %get3A_142 = arith.index_cast %mul3A_139 : i32 to index
        %get3A_143 = tpu.vector_load %arg7[%get3A_141, %get3A_142] {strides = array<i32>} : memref<8x2048xf32, #tpu.memory_space<vmem>>, vector<16xf32>,
        tpu.vector_store_idx %arg9[%broadcast_in_dim3A_137, %get3A_88], %get3A_143 : memref<8x2048xf32, #tpu.memory_space<vmem>>[vector<16xi32>, vector<16xi32>], vector<16xf32>,
        %broadcast_in_dim3A_144 = arith.constant 7 : i32
        %broadcast_in_dim3A_145 = vector.broadcast %broadcast_in_dim3A_144 : i32 to vector<16xi32>
        %mul3A_146 = arith.constant 16 : i32
        %mul3A_147 = arith.muli %scan3A_85, %mul3A_146 : i32
        %get3A_148 = arith.constant 7 : i32
        %get3A_149 = arith.index_cast %get3A_148 : i32 to index
        %get3A_150 = arith.index_cast %mul3A_147 : i32 to index
        %get3A_151 = tpu.vector_load %arg7[%get3A_149, %get3A_150] {strides = array<i32>} : memref<8x2048xf32, #tpu.memory_space<vmem>>, vector<16xf32>,
        tpu.vector_store_idx %arg9[%broadcast_in_dim3A_145, %get3A_88], %get3A_151 : memref<8x2048xf32, #tpu.memory_space<vmem>>[vector<16xi32>, vector<16xi32>], vector<16xf32>,
      }
      %scan3A_72 = arith.constant 128 : i32
      %mul3A_73 = arith.constant 8 : i32
      %mul3A_74 = arith.muli %add3A_57, %mul3A_73 : i32
      %add3A_75 = arith.addi %mul3A_2, %mul3A_74 : i32
      %dma_start3A_76 = arith.constant 0 : i32
      %dma_start3A_77 = tpu.memref_slice %arg4[%add3A_75, %dma_start3A_76] : memref<16384x2048xf32, #tpu.memory_space<hbm>> -> memref<8x2048xf32, #tpu.memory_space<hbm>>
      %dma_start3A_78 = arith.constant 0 : i32
      %dma_start3A_79 = tpu.memref_slice %arg4[%add3A_75, %dma_start3A_78] : memref<16384x2048xf32, #tpu.memory_space<hbm>> -> memref<8x2048xf32, #tpu.memory_space<hbm>>
      tpu.enqueue_dma source(%arg9 : memref<8x2048xf32, #tpu.memory_space<vmem>>) target(%dma_start3A_79 : memref<8x2048xf32, #tpu.memory_space<hbm>>) target_semaphore(%arg13 : memref<!tpu.dma_semaphore, #tpu.memory_space<semaphore_mem>>)
      %lt3A_80 = arith.constant 31 : i32
      %lt3A_81 = arith.cmpi slt, %scan3A_26, %lt3A_80 : i32
      %convert_element_type3A_82 = arith.extui %lt3A_81 : i1 to i32
      %cond3A_83 = arith.constant 0 : i32
      %cond3A_84 = arith.cmpi ne, %convert_element_type3A_82, %cond3A_83 : i32
      scf.if %cond3A_84 {
        %add3A_85 = arith.constant 2 : i32
        %add3A_86 = arith.addi %add3A_57, %add3A_85 : i32
        %mul3A_87 = arith.constant 8 : i32
        %mul3A_88 = arith.muli %add3A_86, %mul3A_87 : i32
        %add3A_89 = arith.addi %mul3A_2, %mul3A_88 : i32
        %dma_start3A_90 = arith.constant 0 : i32
        %dma_start3A_91 = tpu.memref_slice %arg2[%add3A_89, %dma_start3A_90] : memref<16384x2048xf32, #tpu.memory_space<hbm>> -> memref<8x2048xf32, #tpu.memory_space<hbm>>
        %dma_start3A_92 = arith.constant 0 : i32
        %dma_start3A_93 = tpu.memref_slice %arg2[%add3A_89, %dma_start3A_92] : memref<16384x2048xf32, #tpu.memory_space<hbm>> -> memref<8x2048xf32, #tpu.memory_space<hbm>>
        tpu.enqueue_dma source(%dma_start3A_93 : memref<8x2048xf32, #tpu.memory_space<hbm>>) target(%arg7 : memref<8x2048xf32, #tpu.memory_space<vmem>>) target_semaphore(%arg11 : memref<!tpu.dma_semaphore, #tpu.memory_space<semaphore_mem>>)
      } else {
      }
    }
    %scan3A_18 = arith.constant 32 : i32
    %dma_wait3A = arith.constant 0 : i32
    %dma_wait3A_19 = tpu.memref_slice %arg4[%mul3A_2, %dma_wait3A] : memref<16384x2048xf32, #tpu.memory_space<hbm>> -> memref<8x2048xf32, #tpu.memory_space<hbm>>
    %dma_wait3A_20 = arith.constant 0 : i32
    %dma_wait3A_21 = tpu.memref_slice %arg4[%mul3A_2, %dma_wait3A_20] : memref<16384x2048xf32, #tpu.memory_space<hbm>> -> memref<8x2048xf32, #tpu.memory_space<hbm>>
    tpu.wait_dma2 semaphore(%arg12 : memref<!tpu.dma_semaphore, #tpu.memory_space<semaphore_mem>>) src(%arg8 : memref<8x2048xf32, #tpu.memory_space<vmem>>) dst(%dma_wait3A_21 : memref<8x2048xf32, #tpu.memory_space<hbm>>)
    %dma_wait3A_22 = arith.constant 0 : i32
    %dma_wait3A_23 = tpu.memref_slice %arg4[%mul3A_2, %dma_wait3A_22] : memref<16384x2048xf32, #tpu.memory_space<hbm>> -> memref<8x2048xf32, #tpu.memory_space<hbm>>
    %dma_wait3A_24 = arith.constant 0 : i32
    %dma_wait3A_25 = tpu.memref_slice %arg4[%mul3A_2, %dma_wait3A_24] : memref<16384x2048xf32, #tpu.memory_space<hbm>> -> memref<8x2048xf32, #tpu.memory_space<hbm>>
    tpu.wait_dma2 semaphore(%arg13 : memref<!tpu.dma_semaphore, #tpu.memory_space<semaphore_mem>>) src(%arg9 : memref<8x2048xf32, #tpu.memory_space<vmem>>) dst(%dma_wait3A_25 : memref<8x2048xf32, #tpu.memory_space<hbm>>)
    return
  }
}

</mosaic_0001>

<sc_bundles>
// kernel: kernel.3.cloned.1.call-start
scs
__scs_entry_jumppad:
0x0: {  	(pc) =	sbr.rel $0x88, $3  }
0x1: {  	(tag) =	ssettag $0x0;
	lr =	simm.s32 $0x1  }
0x2: {  	[smem:$0x3F9F] =	sst lr;
	_ =	strace $0xD0000000  }
0x3: {  	_ = 	snop  }
0x4: {  	_ = 	snop  }
0x5: {  	_ = 	snop  }
0x6: {  	_ = 	snop  }
0x7: {  	_ = 	snop  }
__scs_overlays_trampoline_lowered:
0x8: {  	[smem:$0x3FAE] =	sst s0  }
0x9: {  	[smem:$0x3FAF] =	sst s1  }
0xa: {  	[smem:$0x3FB0] =	sst s2  }
0xb: {  	[smem:$0x3FB1] =	sst s3  }
0xc: {  	[smem:$0x3FB2] =	sst s4  }
0xd: {  	[smem:$0x3FB3] =	sst s5  }
0xe: {  	[smem:$0x3FB4] =	sst s6  }
0xf: {  	[smem:$0x3FB5] =	sst s7  }
0x10: {  	[smem:$0x3FB6] =	sst s8  }
0x11: {  	[smem:$0x3FB7] =	sst s9;
	s0 =	simm.s32 @!p0 $0x0  }
0x12: {  	s1 =	sld [smem:$0x3F9D];
	s0 =	simm.s32 @p0 $0x1  }
0x13: {  	[smem:$0x3FB8] =	sst s0;
	s0 =	simm.s32 @!p1 $0x0  }
0x14: {  	s2 =	sld [smem:$0x3F9C];
	s0 =	simm.s32 @p1 $0x1  }
0x15: {  	[smem:$0x3FB9] =	sst s0;
	s0 =	simm.s32 @!p2 $0x0  }
0x16: {  	s3 =	sld [smem:$0x3FDB];
	s0 =	simm.s32 @p2 $0x1  }
0x17: {  	s4 =	simm.s32 $0x1BF5;
	[smem:$0x3FBB] =	sst s0  }
0x18: {  	s0 =	sld [smem:$0x3F9E];
	_ =	swait.ge [sflag:s4], $0x0  }
0x19: {  	s7 =	sld [smem:$0x3F9F]  }
0x1a: {  	s8 =	sadd.s32 $0xFFFFE003, lr  }
0x1b: {  	s9 =	sadd.s32 $0xFFFFFEF7, lr;
	s5 =	simm.s32 $0xFFFFFFFF;
	p2 =	slt.u32 s8, $0xFFFFF086  }
0x1c: {  	p1 =	slt.u32 s9, $0xF7A;
	s5 =	simm.s32 @!p2 $0x0  }
0x1d: {  	s5 =	simm.s32 @p1 $0x1;
	p0 =	seq.s32 s7, s2  }
0x1e: {  	s7 =	smul.u32 @!p0 $0xF7A, s2;
	p2 =	seq.s32 @!p0 s5, $0x0  }
0x1f: {  	s9 =	smul.u32 $0xF7A, s1;
	s8 =	simm.s32 @!p0 $0x1BF5;
	p2 =	por !p2, p0  }
0x20: {  	[sflag:s8] =	ssyncset.s32 @!p0 $0xFFFFF086;
	s6 =	sadd.s32 @!p0 s3, s7;
	s7 =	simm.s32 @!p0 $0x108  }
0x21: {  	s3 =	sadd.s32 s3, s9;
	s6 =	sadd.s32 @!p0 $0x88, s6;
	s7 =	simm.s32 @p2 $0x1082  }
0x22: {  	[simem:s7], [sflag:s8] =	dma.local @!p0 [hbm:s6], $0xF7A  }
0x23: {  	s9 =	sor.u32 $0xD0000000, s2;
	s6 =	simm.s32 $0x108;
	_ =	swait.ge @!p0 [sflag:s8], $0x0  }
0x24: {  	s3 =	sadd.s32 $0x88, s3;
	s6 =	simm.s32 @!p1 $0x1082;
	[sflag:s4] =	ssyncset.s32 $0xFFFFF086  }
0x25: {  	[simem:s6], [sflag:s4] =	dma.local [hbm:s3], $0xF7A  }
0x26: {  	[smem:$0x3F9F] =	sst s1;
	(tag) =	ssettag s2;
	_ =	strace s9  }
0x27: {  	s1 =	sld [smem:$0x3FAF]  }
0x28: {  	s2 =	sld [smem:$0x3FB0]  }
0x29: {  	s4 =	sld [smem:$0x3FB2]  }
0x2a: {  	p0 =	seq.s32 s5, $0x0;
	s5 =	sld [smem:$0x3FB3]  }
0x2b: {  	s6 =	sld [smem:$0x3FB4]  }
0x2c: {  	s7 =	sld [smem:$0x3FB5]  }
0x2d: {  	s3 =	simm.s32 $0x108;
	s8 =	sld [smem:$0x3FB6]  }
0x2e: {  	s3 =	simm.s32 @!p0 $0x1082;
	s9 =	sld [smem:$0x3FB7]  }
0x2f: {  	lr =	sadd.s32 s0, s3;
	s0 =	sld [smem:$0x3FAE]  }
0x30: {  	s3 =	sld [smem:$0x3FB1]  }
0x31: {  	[smem:$0x3FBA] =	sst s10  }
0x32: {  	s10 =	sld [smem:$0x3FB8];
	_ =	sdelay $0x3  }
0x33: {  	p0 =	seq.s32 s10, $0x1;
	s10 =	sld [smem:$0x3FBA];
	_ =	sdelay $0x3  }
0x34: {  	[smem:$0x3FBA] =	sst s10  }
0x35: {  	s10 =	sld [smem:$0x3FB9];
	_ =	sdelay $0x3  }
0x36: {  	p1 =	seq.s32 s10, $0x1;
	s10 =	sld [smem:$0x3FBA];
	_ =	sdelay $0x3  }
0x37: {  	[smem:$0x3FBA] =	sst s10  }
0x38: {  	s10 =	sld [smem:$0x3FBB]  }
0x39: {  	_ = 	snop;
	(pc) =	sbr.ind lr, $3  }
0x3a: {  	_ = 	snop  }
0x3b: {  	_ = 	snop  }
0x3c: {  	p2 =	seq.s32 s10, $0x1;
	s10 =	sld [smem:$0x3FBA]  }
0x3d: {  	_ =	shalt  }
0x3e: {  	_ =	shalt  }
0x3f: {  	_ =	shalt  }
0x40: {  	_ =	shalt  }
0x41: {  	_ =	shalt  }
0x42: {  	_ =	shalt  }
0x43: {  	_ =	shalt  }
0x44: {  	_ =	shalt  }
0x45: {  	_ =	shalt  }
0x46: {  	_ =	shalt  }
0x47: {  	_ =	shalt  }
0x48: {  	_ =	shalt  }
0x49: {  	_ =	shalt  }
0x4a: {  	_ =	shalt  }
0x4b: {  	_ =	shalt  }
0x4c: {  	_ =	shalt  }
0x4d: {  	_ =	shalt  }
0x4e: {  	_ =	shalt  }
0x4f: {  	_ =	shalt  }
0x50: {  	_ =	shalt  }
0x51: {  	_ =	shalt  }
0x52: {  	_ =	shalt  }
0x53: {  	_ =	shalt  }
0x54: {  	_ =	shalt  }
0x55: {  	_ =	shalt  }
0x56: {  	_ =	shalt  }
0x57: {  	_ =	shalt  }
0x58: {  	_ =	shalt  }
0x59: {  	_ =	shalt  }
0x5a: {  	_ =	shalt  }
0x5b: {  	_ =	shalt  }
0x5c: {  	_ =	shalt  }
0x5d: {  	_ =	shalt  }
0x5e: {  	_ =	shalt  }
0x5f: {  	_ =	shalt  }
0x60: {  	_ =	shalt  }
0x61: {  	_ =	shalt  }
0x62: {  	_ =	shalt  }
0x63: {  	_ =	shalt  }
0x64: {  	_ =	shalt  }
0x65: {  	_ =	shalt  }
0x66: {  	_ =	shalt  }
0x67: {  	_ =	shalt  }
0x68: {  	_ =	shalt  }
0x69: {  	_ =	shalt  }
0x6a: {  	_ =	shalt  }
0x6b: {  	_ =	shalt  }
0x6c: {  	_ =	shalt  }
0x6d: {  	_ =	shalt  }
0x6e: {  	_ =	shalt  }
0x6f: {  	_ =	shalt  }
0x70: {  	_ =	shalt  }
0x71: {  	_ =	shalt  }
0x72: {  	_ =	shalt  }
0x73: {  	_ =	shalt  }
0x74: {  	_ =	shalt  }
0x75: {  	_ =	shalt  }
0x76: {  	_ =	shalt  }
0x77: {  	_ =	shalt  }
0x78: {  	_ =	shalt  }
0x79: {  	_ =	shalt  }
0x7a: {  	_ =	shalt  }
0x7b: {  	_ =	shalt  }
0x7c: {  	_ =	shalt  }
0x7d: {  	_ =	shalt  }
0x7e: {  	_ =	shalt  }
0x7f: {  	_ =	shalt  }
0x80: {  	_ =	shalt  }
0x81: {  	_ =	shalt  }
0x82: {  	_ =	shalt  }
0x83: {  	_ =	shalt  }
0x84: {  	_ =	shalt  }
0x85: {  	_ =	shalt  }
0x86: {  	_ =	shalt  }
0x87: {  	_ =	shalt  }
.Lfunc_end0:
.L_simem_size_0:
called_computation_lowered:
.L_overlay_start_0:
0x88: {  	s2 =	sld [smem:$0x3FD9]  }
0x89: {  	s3 =	sld [smem:$0x3FFE];
	_ =	sdelay $0x1  }
0x8a: {  	s1 =	srdreg.scid  }
0x8b: {  	s0 =	sand.u32 $0x1, s1  }
0x8c: {  	s14 =	sshll.u32 s0, $0xA;
	s2 =	sadd.s32 s3, s2  }
0x8d: {  	s2 =	sadd.s32 s2, s14  }
0x8e: {  	[smem:$0x3FC6] =	sst s2  }
0x8f: {  	_ = 	snop  }
0x90: {  	s2 =	sld [smem:$0x3FD0];
	_ =	sdelay $0x2  }
0x91: {  	s4 =	simm.s32 $0xA;
	s5 =	simm.s32 $0x10;
	s15 =	sld [smem:$0x3FC9]  }
0x92: {  	[smem:s5], [sflag:s4] =	dma.local [hbm:s2], $0x1  }
0x93: {  	_ =	swait.eq [sflag:s4], $0x1  }
0x94: {  	[sflag:s4] =	ssyncset.done $0x0  }
0x95: {  	[sflag:s4] =	ssyncadd.s32 $0xFFFFFFFF  }
0x96: {  	s16 =	sld [smem:$0x10];
	(tm) =	ssettm $0x1  }
0x97: {  	s17 =	sld [smem:$0x3FFB];
	_ =	sdelay $0x3  }
0x98: {  	_ =	strace s17  }
0x99: {  	s4 =	sld [smem:$0x3FFC];
	_ =	sdelay $0x3  }
0x9a: {  	_ =	strace s4  }
0x9b: {  	s4 =	sld [smem:$0x3FFD];
	_ =	sdelay $0x3  }
0x9c: {  	_ =	strace s4  }
0x9d: {  	_ =	strace $0x8FFFFFFF  }
0x9e: {  	s18 =	sld [smem:$0x3FDB];
	_ =	sdelay $0x1  }
0x9f: {  	s19 =	simm.s32 $_scs_section_size  }
0xa0: {  	s6 =	simm.s32 $_size__tile_overlayer_lowered;
	s7 =	simm.s32 $_tile_overlayer_lowered  }
0xa1: {  	s22 =	simm.s32 $0x1BFF;
	s21 =	sshll.u32 s7, $0x1;
	s4 =	sadd.s32 s19, s18  }
0xa2: {  	s8 =	simm.s32 $0x0;
	s20 =	sshll.u32 s6, $0x1;
	s6 =	sadd.s32 s21, s4  }
0xa3: {  	[timem:s8], [sflag:s22] =	dma.local [hbm:s6], s20  }
0xa4: {  	_ =	swait.ge [sflag:s22], s20  }
0xa5: {  	s5 =	ssub.s32 $0x0, s20;
	[sflag:s22] =	ssyncset.done $0x0  }
0xa6: {  	[sflag:s22] =	ssyncadd.s32 s5;
	_ =	sdelay $0x1  }
0xa7: {  	s23 =	simm.s32 $0x1B8B  }
0xa8: {  	_ =	swait.ge [sflag:s23], $0x1  }
0xa9: {  	[sflag:s23] =	ssyncset.done $0x0  }
0xaa: {  	s25 =	simm.s32 $0x1B8E;
	s24 =	sld [smem:$0x3FFE];
	[sflag:s23] =	ssyncadd.s32 $0xFFFFFFFF  }
0xab: {  	s26 =	simm.s32 $execute0_lowered;
	[smem:$0x3FD2] =	sst s25  }
0xac: {  	s6 =	sshll.u32 s26, $0x1;
	_ =	strace $0x80000046;
	[dreg:$0x1] =	wrdreg $0xFFFFFFFF  }
0xad: {  	s28 =	simm.s32 $_size_execute0_lowered;
	s4 =	sadd.s32 s4, s6;
	[dreg:$0x0] =	wrdreg $0x0  }
0xae: {  	s6 =	sshll.u32 s28, $0x1;
	[dreg:$0x2] =	wrdreg s4  }
0xaf: {  	[dreg:$0x3] =	wrdreg s6  }
0xb0: {  	[dreg:$0x4] =	wrdreg $0xC0  }
0xb1: {  	_ =	task [dreg:s8], $0x5FFFF  }
0xb2: {  	[dreg:$0x1] =	wrdreg $0xFFFFFFFF  }
0xb3: {  	[dreg:$0x0] =	wrdreg $0x60  }
0xb4: {  	[dreg:$0x2] =	wrdreg s15  }
0xb5: {  	[dreg:$0x3] =	wrdreg s24  }
0xb6: {  	[dreg:$0x4] =	wrdreg s16  }
0xb7: {  	[dreg:$0x5] =	wrdreg $0x9  }
0xb8: {  	_ =	task.clear_ibuf [dreg:s8], $0x6FFFF;
	_ =	strace $0x90000046  }
0xb9: {  	s29 =	simm.s32 $0x9;
	_ =	strace $0x80000048  }
0xba: {  	_ =	swait.ge [sflag:s29], $0x1  }
0xbb: {  	[sflag:s29] =	ssyncadd.s32 $0xFFFFFFFF  }
0xbc: {  	_ =	strace $0x90000048  }
0xbd: {  	_ =	sfence  }
0xbe: {  	s30 =	sld [smem:$0x0];
	_ =	sdelay $0x2  }
0xbf: {  	s31 =	sshll.u32 s1, $0xD;
	s1 =	sshrl.u32 s1, $0x2  }
0xc0: {  	s3 =	sand.u32 $0x4000, s31;
	s1 =	sadd.s32 s1, s30  }
0xc1: {  	s0 =	sor.u32 s3, s0;
	s1 =	sshll.u32 s1, $0x11  }
0xc2: {  	s0 =	sor.u32 s1, s0  }
0xc3: {  	s0 =	sadd.s32 $0x8F2B, s0  }
0xc4: {  	[sflag:s0] =	ssyncadd.remote.s32 $0x1  }
0xc5: {  	_ =	sfence.sel $0xFFFF  }
0xc6: {  	[dreg:$0x0] =	wrdreg $0xFFFFFFFF;
	(pc) =	sbr.abs _section_cstart, $3  }
0xc7: {  	[dreg:$0x1] =	wrdreg $0xFFFFFFFF  }
0xc8: {  	_ =	task.clear_ibuf [dreg:s8], $0x2FFFF;
	_ =	strace $0x9FFFFFFF  }
0xc9: {  	(tm) =	ssettm $0x7FFFFFFF  }
tec
execute0_lowered:
.L_overlay_start_1:
0x0: {  	(tag) =	ssettag $0x1  }
0x1: {  	s2 =	rddreg [dreg:$0x0]  }
0x2: {  	s3 =	rddreg [dreg:$0x1]  }
0x3: {  	s0 =	srdreg.scid;
	s4 =	rddreg [dreg:$0x2]  }
0x4: {  	s1 =	stileid.u32;
	s5 =	simm.s32 $0x0;
	s13 =	simm.s32 $0x5  }
0x5: {  	s14 =	simm.s32 $0x800;
	s15 =	simm.s32 $0x4800;
	s16 =	simm.s32 $0x1  }
0x6: {  	s17 =	simm.s32 $0x8800;
	s18 =	simm.s32 $0x2;
	s19 =	simm.s32 $0x4  }
0x7: {  	s20 =	simm.s32 $0xC800;
	s21 =	simm.s32 $0x3;
	s22 =	simm.s32 $0x0  }
0x8: {  	s6 =	sand.u32 $0x1, s0;
	s0 =	rddreg [dreg:$0x3];
	s7 =	sshll.u32 s1, $0xA  }
.Ltmp0:
0x9: {  	s8 =	sshll.u32 s6, $0x9;
	s9 =	ssub.s32 $0x2, s6;
	(pc) =	sbr.rel .LBB2_1-.Ltmp0, $4  }
0xa: {  	[smem:$0x7FF] =	sst s5;
	s6 =	sor.u32 s8, s7;
	s31 =	sshrl.u32 s9, $0x1  }
0xb: {  	_ =	strace $0x80000047;
	s10 =	sshll.u32 s6, $0x8;
	s12 =	ssub.s32 s9, s31  }
0xc: {  	s11 =	sor.u32 $0x18, s6;
	s7 =	sadd.s32 s2, s10;
	s9 =	sadd.s32 s4, s10  }
0xd: {  	s10 =	sor.u32 $0x10, s6;
	s12 =	smax.u32 s12, $0x1;
	s8 =	sadd.s32 $0x800, s7  }
.LBB2_12:
0xe: {  	s22 =	sadd.s32 $0x1, s22  }
0xf: {  	_ =	swait.ge [sflag:s21], $0x4000;
	p0 =	sne.s32 s22, s12  }
.Ltmp1:
0x10: {  	[sflag:s21] =	ssyncset.done $0x0;
	(pc) =	sbr.rel @!p0 .LBB2_13-.Ltmp1, $4  }
0x11: {  	[sflag:s21] =	ssyncadd.s32 $0xFFFFC000  }
0x12: {  	_ =	swait.ge [sflag:s19], $0x4000  }
0x13: {  	[sflag:s19] =	ssyncset.done $0x0  }
0x14: {  	[sflag:s19] =	ssyncadd.s32 $0xFFFFC000  }
.LBB2_1:
0x15: {  	[tilespmem:s5], [sflag:$0x5] =	stream.linear.gather [hbm4b:s3+s5], $0x800, $0x38;
	[tilespmem:$0x10800] =	vst v63  }
0x16: {  	_ =	swait.ge [sflag:s13], $0x800  }
0x17: {  	[sflag:s13] =	ssyncset.done $0x0  }
0x18: {  	[sflag:s13] =	ssyncadd.s32 $0xFFFFF800  }
0x19: {  	[tilespmem:s14], [sflag:$0x1] =	stream.linear.gather [hbm4b:s7+s5], $0x4000, $0x38;
	[tilespmem:$0x10800] =	vst v63  }
0x1a: {  	s23 =	simm.s32 $0x0  }
0x1b: {  	[tilespmem:s15], [sflag:$0x2] =	stream.linear.gather [hbm4b:s8+s5], $0x4000, $0x38;
	[tilespmem:$0x10800] =	vst v63  }
.LBB2_2:
0x1c: {  	_ =	swait.ge [sflag:s16], $0x4000  }
0x1d: {  	p0 =	seq.s32 s23, $0x0;
	[sflag:s16] =	ssyncset.done $0x0  }
0x1e: {  	s24 =	simm.s32 @!p0 $0x3;
	[sflag:s16] =	ssyncadd.s32 $0xFFFFC000  }
0x1f: {  	_ =	swait.ge @!p0 [sflag:s24], $0x4000  }
0x20: {  	[sflag:s24] =	ssyncset.done @!p0 $0x0  }
0x21: {  	s25 =	simm.s32 $0x0;
	[sflag:s24] =	ssyncadd.s32 @!p0 $0xFFFFC000  }
0x22: {  	v0 =	vld [tilespmem:s25+$0x0];
	_ =	sdelay $0x4  }
0x23: {  	s31 =	sand.u32 $0x70, s25;
	s26 =	sand.u32 $0x3C00, s25;
	v1 =	vshll.u32 v0, $0x3  }
0x24: {  	s24 =	sor.u32 s31, s26;
	v0 =	vand.u32 $0x7F, v0;
	v1 =	vand.u32 $0xFFFFFC00, v1  }
0x25: {  	v2 =	vld [tilespmem:s24+$0x800];
	v1 =	vor.u32 v0, v1;
	_ =	sdelay $0x4  }
0x26: {  	[tilespmem:v1+s17+$0x0] =	vst.idx.msk $0xffff, v2  }
0x27: {  	v2 =	vor.u32 $0x80, v1;
	v0 =	vld [tilespmem:s24+$0x880];
	_ =	sdelay $0x4  }
0x28: {  	[tilespmem:v2+s17+$0x0] =	vst.idx.msk $0xffff, v0  }
0x29: {  	v2 =	vor.u32 $0x100, v1;
	v0 =	vld [tilespmem:s24+$0x900];
	_ =	sdelay $0x4  }
0x2a: {  	[tilespmem:v2+s17+$0x0] =	vst.idx.msk $0xffff, v0  }
0x2b: {  	v2 =	vor.u32 $0x180, v1;
	v0 =	vld [tilespmem:s24+$0x980];
	_ =	sdelay $0x4  }
0x2c: {  	[tilespmem:v2+s17+$0x0] =	vst.idx.msk $0xffff, v0  }
0x2d: {  	v2 =	vor.u32 $0x200, v1;
	v0 =	vld [tilespmem:s24+$0xA00];
	_ =	sdelay $0x4  }
0x2e: {  	[tilespmem:v2+s17+$0x0] =	vst.idx.msk $0xffff, v0  }
0x2f: {  	v2 =	vor.u32 $0x280, v1;
	v0 =	vld [tilespmem:s24+$0xA80];
	_ =	sdelay $0x4  }
0x30: {  	[tilespmem:v2+s17+$0x0] =	vst.idx.msk $0xffff, v0  }
0x31: {  	v2 =	vor.u32 $0x300, v1;
	v0 =	vld [tilespmem:s24+$0xB00];
	_ =	sdelay $0x1  }
0x32: {  	s30 =	sand.u32 $0x7, s25  }
0x33: {  	s24 =	sshll.u32 s30, $0x4  }
0x34: {  	s31 =	sadd.s32 $0x0, s24  }
0x35: {  	s29 =	simm.s32 $0x0;
	s28 =	sor.u32 $0x380, s31;
	[tilespmem:v2+s17+$0x0] =	vst.idx.msk $0xffff, v0  }
0x36: {  	s26 =	simm.s32 $0x10;
	v1 =	vor.u32 $0x380, v1;
	s24 =	sshll.u32 s23, $0x4;
	v0 =	vld [tilespmem:s28+$0x800];
	s28 =	simm.s32 $0x0  }
.LBB2_3:
0x37: {  	_ =	sdelay $0x3  }
0x38: {  	s25 =	sadd.s32 $0x80, s25;
	s28 =	sadd.s32 $0x1, s28;
	s29 =	sadd.s32 $0x10, s29;
	[tilespmem:v1+s17+$0x0] =	vst.idx.msk $0xffff, v0  }
0x39: {  	p1 =	sne.s32 s26, $0x7F0;
	s30 =	smov.u32 s26;
	s26 =	sadd.s32 $0x10, s26;
	v0 =	vld [tilespmem:s29+$0x0]  }
0x3a: {  	_ =	sdelay $0x3  }
0x3b: {  	s30 =	sand.u32 $0x70, s30;
	s31 =	sand.u32 $0x3C00, s25;
	v1 =	vshll.u32 v0, $0x3  }
0x3c: {  	s30 =	sor.u32 s30, s31;
	v0 =	vand.u32 $0x7F, v0;
	v1 =	vand.u32 $0xFFFFFC00, v1  }
0x3d: {  	v2 =	vld [tilespmem:s30+$0x800];
	v1 =	vor.u32 v0, v1;
	_ =	sdelay $0x4  }
0x3e: {  	[tilespmem:v1+s17+$0x0] =	vst.idx.msk $0xffff, v2  }
0x3f: {  	v2 =	vor.u32 $0x80, v1;
	v0 =	vld [tilespmem:s30+$0x880];
	_ =	sdelay $0x4  }
0x40: {  	[tilespmem:v2+s17+$0x0] =	vst.idx.msk $0xffff, v0  }
0x41: {  	v2 =	vor.u32 $0x100, v1;
	v0 =	vld [tilespmem:s30+$0x900];
	_ =	sdelay $0x4  }
0x42: {  	[tilespmem:v2+s17+$0x0] =	vst.idx.msk $0xffff, v0  }
0x43: {  	v2 =	vor.u32 $0x180, v1;
	v0 =	vld [tilespmem:s30+$0x980];
	_ =	sdelay $0x4  }
0x44: {  	[tilespmem:v2+s17+$0x0] =	vst.idx.msk $0xffff, v0  }
0x45: {  	v2 =	vor.u32 $0x200, v1;
	v0 =	vld [tilespmem:s30+$0xA00];
	_ =	sdelay $0x4  }
0x46: {  	[tilespmem:v2+s17+$0x0] =	vst.idx.msk $0xffff, v0  }
0x47: {  	v2 =	vor.u32 $0x280, v1;
	v0 =	vld [tilespmem:s30+$0xA80];
	_ =	sdelay $0x4  }
0x48: {  	[tilespmem:v2+s17+$0x0] =	vst.idx.msk $0xffff, v0  }
0x49: {  	v2 =	vor.u32 $0x300, v1;
	v0 =	vld [tilespmem:s30+$0xB00];
	_ =	sdelay $0x1  }
.Ltmp2:
0x4a: {  	s30 =	sand.u32 $0x7, s28;
	(pc) =	sbr.rel @p1 .LBB2_3-.Ltmp2, $4  }
0x4b: {  	s30 =	sshll.u32 s30, $0x4  }
0x4c: {  	s30 =	sadd.s32 s30, s25  }
0x4d: {  	s30 =	sor.u32 $0x380, s30;
	[tilespmem:v2+s17+$0x0] =	vst.idx.msk $0xffff, v0  }
0x4e: {  	v1 =	vor.u32 $0x380, v1;
	v0 =	vld [tilespmem:s30+$0x800]  }
0x4f: {  	p1 =	sne.s32 s23, $0x1F  }
.Ltmp3:
0x50: {  	_ = 	snop;
	(pc) =	sbr.rel @p1 .LBB2_6-.Ltmp3, $4  }
0x51: {  	_ = 	snop  }
0x52: {  	s25 =	sshll.u32 s23, $0xC  }
0x53: {  	s25 =	sadd.s32 s25, s9;
	[tilespmem:v1+s17+$0x0] =	vst.idx.msk $0xffff, v0  }
0x54: {  	[hbm4b:s25+s5] =	stream.linear.scatter [tilespmem:s17], [sflag:$0x3], $0x4000, $0x38;
	[tilespmem:$0x10800] =	vst v63  }
.Ltmp4:
0x55: {  	(pc) =	sbr.rel .LBB2_7-.Ltmp4, $4  }
0x56: {  	_ = 	snop  }
0x57: {  	_ =	swait.ge [sflag:s18], $0x4000  }
0x58: {  	[sflag:s18] =	ssyncset.done $0x0  }
0x59: {  	[sflag:s18] =	ssyncadd.s32 $0xFFFFC000  }
.LBB2_6:
0x5a: {  	s25 =	sadd.s32 s24, s10  }
0x5b: {  	s25 =	sshll.u32 s25, $0x8  }
.Ltmp5:
0x5c: {  	s25 =	sadd.s32 s2, s25;
	(pc) =	sbr.rel @p0 .LBB2_8-.Ltmp5, $4  }
0x5d: {  	[tilespmem:s14], [sflag:$0x1] =	stream.linear.gather [hbm4b:s25+s5], $0x4000, $0x38;
	[tilespmem:$0x10800] =	vst v63  }
0x5e: {  	_ =	swait.ge [sflag:s18], $0x4000  }
0x5f: {  	[sflag:s18] =	ssyncset.done $0x0  }
0x60: {  	[sflag:s18] =	ssyncadd.s32 $0xFFFFC000  }
.LBB2_7:
0x61: {  	_ =	swait.ge [sflag:s19], $0x4000  }
0x62: {  	[sflag:s19] =	ssyncset.done $0x0  }
0x63: {  	[sflag:s19] =	ssyncadd.s32 $0xFFFFC000  }
.LBB2_8:
0x64: {  	s25 =	simm.s32 $0x0  }
0x65: {  	v0 =	vld [tilespmem:s25+$0x0];
	_ =	sdelay $0x4  }
0x66: {  	s26 =	sand.u32 $0x70, s25;
	s28 =	sand.u32 $0x3C00, s25;
	v1 =	vshll.u32 v0, $0x3  }
0x67: {  	s26 =	sor.u32 s26, s28;
	v0 =	vand.u32 $0x7F, v0;
	v1 =	vand.u32 $0xFFFFFC00, v1  }
0x68: {  	v2 =	vld [tilespmem:s26+$0x4800];
	v1 =	vor.u32 v0, v1;
	_ =	sdelay $0x4  }
0x69: {  	[tilespmem:v1+s20+$0x0] =	vst.idx.msk $0xffff, v2  }
0x6a: {  	v2 =	vor.u32 $0x80, v1;
	v0 =	vld [tilespmem:s26+$0x4880];
	_ =	sdelay $0x4  }
0x6b: {  	[tilespmem:v2+s20+$0x0] =	vst.idx.msk $0xffff, v0  }
0x6c: {  	v2 =	vor.u32 $0x100, v1;
	v0 =	vld [tilespmem:s26+$0x4900];
	_ =	sdelay $0x4  }
0x6d: {  	[tilespmem:v2+s20+$0x0] =	vst.idx.msk $0xffff, v0  }
0x6e: {  	v2 =	vor.u32 $0x180, v1;
	v0 =	vld [tilespmem:s26+$0x4980];
	_ =	sdelay $0x4  }
0x6f: {  	[tilespmem:v2+s20+$0x0] =	vst.idx.msk $0xffff, v0  }
0x70: {  	v2 =	vor.u32 $0x200, v1;
	v0 =	vld [tilespmem:s26+$0x4A00];
	_ =	sdelay $0x4  }
0x71: {  	[tilespmem:v2+s20+$0x0] =	vst.idx.msk $0xffff, v0  }
0x72: {  	v2 =	vor.u32 $0x280, v1;
	v0 =	vld [tilespmem:s26+$0x4A80];
	_ =	sdelay $0x4  }
0x73: {  	[tilespmem:v2+s20+$0x0] =	vst.idx.msk $0xffff, v0  }
0x74: {  	v2 =	vor.u32 $0x300, v1;
	v0 =	vld [tilespmem:s26+$0x4B00];
	_ =	sdelay $0x1  }
0x75: {  	s31 =	sand.u32 $0x7, s25  }
0x76: {  	s26 =	sshll.u32 s31, $0x4  }
0x77: {  	s26 =	sadd.s32 $0x0, s26  }
0x78: {  	s28 =	sor.u32 $0x380, s26;
	[tilespmem:v2+s20+$0x0] =	vst.idx.msk $0xffff, v0  }
0x79: {  	s29 =	simm.s32 $0x0;
	v1 =	vor.u32 $0x380, v1;
	s26 =	simm.s32 $0x10;
	v0 =	vld [tilespmem:s28+$0x4800];
	s28 =	simm.s32 $0x0  }
.LBB2_9:
0x7a: {  	_ =	sdelay $0x3  }
0x7b: {  	s25 =	sadd.s32 $0x80, s25;
	s28 =	sadd.s32 $0x1, s28;
	s29 =	sadd.s32 $0x10, s29;
	[tilespmem:v1+s20+$0x0] =	vst.idx.msk $0xffff, v0  }
0x7c: {  	p0 =	sne.s32 s26, $0x7F0;
	s30 =	smov.u32 s26;
	s26 =	sadd.s32 $0x10, s26;
	v0 =	vld [tilespmem:s29+$0x0]  }
0x7d: {  	_ =	sdelay $0x3  }
0x7e: {  	s30 =	sand.u32 $0x70, s30;
	s31 =	sand.u32 $0x3C00, s25;
	v1 =	vshll.u32 v0, $0x3  }
0x7f: {  	s30 =	sor.u32 s30, s31;
	v0 =	vand.u32 $0x7F, v0;
	v1 =	vand.u32 $0xFFFFFC00, v1  }
0x80: {  	v2 =	vld [tilespmem:s30+$0x4800];
	v1 =	vor.u32 v0, v1;
	_ =	sdelay $0x4  }
0x81: {  	[tilespmem:v1+s20+$0x0] =	vst.idx.msk $0xffff, v2  }
0x82: {  	v2 =	vor.u32 $0x80, v1;
	v0 =	vld [tilespmem:s30+$0x4880];
	_ =	sdelay $0x4  }
0x83: {  	[tilespmem:v2+s20+$0x0] =	vst.idx.msk $0xffff, v0  }
0x84: {  	v2 =	vor.u32 $0x100, v1;
	v0 =	vld [tilespmem:s30+$0x4900];
	_ =	sdelay $0x4  }
0x85: {  	[tilespmem:v2+s20+$0x0] =	vst.idx.msk $0xffff, v0  }
0x86: {  	v2 =	vor.u32 $0x180, v1;
	v0 =	vld [tilespmem:s30+$0x4980];
	_ =	sdelay $0x4  }
0x87: {  	[tilespmem:v2+s20+$0x0] =	vst.idx.msk $0xffff, v0  }
0x88: {  	v2 =	vor.u32 $0x200, v1;
	v0 =	vld [tilespmem:s30+$0x4A00];
	_ =	sdelay $0x4  }
0x89: {  	[tilespmem:v2+s20+$0x0] =	vst.idx.msk $0xffff, v0  }
0x8a: {  	v2 =	vor.u32 $0x280, v1;
	v0 =	vld [tilespmem:s30+$0x4A80];
	_ =	sdelay $0x4  }
0x8b: {  	[tilespmem:v2+s20+$0x0] =	vst.idx.msk $0xffff, v0  }
0x8c: {  	v2 =	vor.u32 $0x300, v1;
	v0 =	vld [tilespmem:s30+$0x4B00];
	_ =	sdelay $0x1  }
.Ltmp6:
0x8d: {  	s30 =	sand.u32 $0x7, s28;
	(pc) =	sbr.rel @p0 .LBB2_9-.Ltmp6, $4  }
0x8e: {  	s30 =	sshll.u32 s30, $0x4  }
0x8f: {  	s30 =	sadd.s32 s30, s25  }
0x90: {  	s30 =	sor.u32 $0x380, s30;
	[tilespmem:v2+s20+$0x0] =	vst.idx.msk $0xffff, v0  }
0x91: {  	v1 =	vor.u32 $0x380, v1;
	v0 =	vld [tilespmem:s30+$0x4800]  }
0x92: {  	p0 =	seq.s32 s23, $0x1F  }
.Ltmp7:
0x93: {  	s25 =	sadd.s32 s24, s6;
	(pc) =	sbr.rel @p0 .LBB2_12-.Ltmp7, $4  }
0x94: {  	s25 =	sshll.u32 s25, $0x8  }
0x95: {  	s25 =	sadd.s32 s4, s25  }
0x96: {  	s25 =	sadd.s32 $0x800, s25;
	[tilespmem:v1+s20+$0x0] =	vst.idx.msk $0xffff, v0  }
0x97: {  	[hbm4b:s25+s5] =	stream.linear.scatter [tilespmem:s20], [sflag:$0x4], $0x4000, $0x38;
	[tilespmem:$0x10800] =	vst v63  }
.Ltmp8:
0x98: {  	(pc) =	sbr.rel .LBB2_2-.Ltmp8, $4  }
0x99: {  	s24 =	sadd.s32 s24, s11  }
0x9a: {  	s24 =	sshll.u32 s24, $0x8  }
0x9b: {  	s23 =	sadd.s32 $0x1, s23;
	s24 =	sadd.s32 s2, s24  }
0x9c: {  	[tilespmem:s15], [sflag:$0x2] =	stream.linear.gather [hbm4b:s24+s5], $0x4000, $0x38;
	[tilespmem:$0x10800] =	vst v63  }
.LBB2_13:
0x9d: {  	_ =	sfence.sel $0x180000  }
0x9e: {  	[bflag:$0x0] =	sbarrier.arrive $0xFFFF  }
0x9f: {  	p0 =	sne.s32 s1, $0x0;
	_ =	strace $0x90000047  }
0xa0: {  	s0 =	sadd.s32 @!p0 $0x100000, s0;
	[bflag:$0x2] =	sbarrier.arrive $0xFFFF  }
0xa1: {  	[sflag:s0] =	ssyncadd.tile.s32 @!p0 $0x1;
	_ =	shalt  }
.Lfunc_end2:
_tile_overlayer_lowered:
.L_overlay_start_2:
0xa2: {  	(tag) =	ssettag $0x2  }
0xa3: {  	s0 =	rddreg [dreg:$0x0];
	s2 =	stileid.u32  }
0xa4: {  	s1 =	rddreg [dreg:$0x1];
	p0 =	sne.s32 s2, $0x0  }
0xa5: {  	s3 =	rddreg [dreg:$0x2];
	[bflag:$0x3] =	sbarrier.arrive $0xFFFF;
	s2 =	simm.s32 @!p0 $0x1C05  }
0xa6: {  	[timem:s3], [sflag:s2] =	dma.local @!p0 [hbm:s0], s1  }
0xa7: {  	s0 =	simm.s32 @!p0 $0x5  }
0xa8: {  	_ =	swait.ge @!p0 [sflag:s0], s1  }
0xa9: {  	s1 =	ssub.s32 @!p0 $0x0, s1;
	[sflag:s0] =	ssyncset.done @!p0 $0x0  }
0xaa: {  	[sflag:s0] =	ssyncadd.s32 @!p0 s1  }
0xab: {  	[bflag:$0x3] =	sbarrier.arrive $0xFFFF  }
0xac: {  	_ =	shalt  }

</sc_bundles>
